<compile_context>
chip_gen: v7x
topology: tpu7x:2x2x1
jax: 0.10.2.dev20260603
libtpu: 0.0.44.dev20260713+nightly
codegen_flags: <defaults>
</compile_context>

<pallas_src>
import functools

import jax
import jax.numpy as jnp
from jax.experimental import pallas as pl

_K = 8


def _sample_concrete_block(logits_ref, uniform_ref, out_ref):
    eps = jnp.finfo(jnp.float32).eps
    D = logits_ref.shape[-1]
    L = logits_ref[:]
    Lmax = jnp.max(L, axis=-1, keepdims=True)
    expL = jnp.exp(2.0 * (L - Lmax))
    acc = jnp.full_like(L, -jnp.inf)
    for k in range(_K):
        u = jnp.clip(uniform_ref[:, k * D:(k + 1) * D], eps, 1.0)
        rw = 1.0 / jnp.log2(u)
        e = expL * (rw * rw)
        s = jnp.sum(e, axis=-1, keepdims=True)
        acc = jnp.maximum(acc, e * (1.0 / s))
    out_ref[:] = acc


@functools.partial(jax.jit, static_argnames=("interpret",))
def kernel(logits, uniform, interpret=False):
    B, D = logits.shape
    _, K, _ = uniform.shape
    uniform2 = uniform.reshape(B, K * D)
    BB = 8
    return pl.pallas_call(
        _sample_concrete_block,
        grid=(B // BB,),
        in_specs=[
            pl.BlockSpec((BB, D), lambda b: (b, 0)),
            pl.BlockSpec((BB, K * D), lambda b: (b, 0)),
        ],
        out_specs=pl.BlockSpec((BB, D), lambda b: (b, 0)),
        out_shape=jax.ShapeDtypeStruct((B, D), jnp.float32),
        interpret=interpret,
    )(logits, uniform2)

# --- scband reference (transcript-rebuilt; emitter-appended) ---
"""Pipeline reference for scband-sample-concrete-79577154060805 (READ-ONLY COPY).

The authoritative reference and input builder live on the scoring server;
editing this copy changes nothing except your own understanding.
"""

import jax, jax.numpy as jnp
import numpy as np

TAU0 = 0.5
K = 8

def setup_inputs(seed: int = 0) -> dict:
    key = jax.random.key(seed)
    k1, k2 = jax.random.split(key)
    logits = jax.random.normal(k1, (128, 32768), dtype=jnp.float32)
    # Matches torch.rand(batch, k, d) drawn inside forward; materialized here for determinism.
    uniform = jax.random.uniform(k2, (128, K, 32768), dtype=jnp.float32)
    return {"logits": logits, "uniform": uniform}

def reference(logits, uniform):
    # logits_ = logits.unsqueeze(1)
    logits_ = logits[:, None, :]
    eps = jnp.finfo(jnp.float32).eps
    u = jnp.clip(uniform, eps, 1.0)
    gumbel = -jnp.log(-jnp.log(u))
    noisy_logits = (gumbel + logits_) / TAU0
    samples = jax.nn.softmax(noisy_logits, axis=-1)
    samples = jnp.max(samples, axis=1)
    repeat_count = logits.shape[1] // samples.shape[1]  # == 1 here
    samples = jnp.tile(samples, (1, repeat_count))
    # eval-branch discrete mask (computed in torch forward regardless of mode)
    topk_vals = jax.lax.top_k(logits, K)[0]
    threshold = topk_vals[:, K - 1][:, None]
    discrete_logits = (logits >= threshold).astype(jnp.float32)
    # nn.Module defaults to training=True, so forward returns the relaxed samples
    return samples

if __name__ == "__main__":
    import jax
    _d = setup_inputs()
    print(jax.jit(kernel)(*tuple(_d.values())))

</pallas_src>

<mosaic_0001>
module attributes {stable_mosaic.version = 14 : i64} {
  func.func @_sample_concrete_block(%arg0: i32, %arg1: memref<8x32768xf32, #tpu.memory_space<vmem>>, %arg2: memref<8x262144xf32, #tpu.memory_space<vmem>>, %arg3: memref<8x32768xf32, #tpu.memory_space<vmem>>) attributes {dimension_semantics = [#tpu.dimension_semantics<arbitrary>], iteration_bounds = array<i64: 16>, scalar_prefetch = 0 : i64, scratch_operands = 0 : i64, tpu.core_type = #tpu.core_type<tc>, window_params = [{transform_indices = @transform_0, window_bounds = array<i64: 8, 32768>}, {transform_indices = @transform_1, window_bounds = array<i64: 8, 262144>}, {transform_indices = @transform_2, window_bounds = array<i64: 8, 32768>}]} {
    %get3A = arith.constant 0 : index
    %get3A_0 = arith.constant 0 : index
    %get3A_1 = vector.load %arg1[%get3A, %get3A_0] : memref<8x32768xf32, #tpu.memory_space<vmem>>, vector<8x32768xf32>
    %reduce_max3A = arith.constant dense<0xFF800000> : vector<8xf32>
    %reduce_max3A_2 = vector.multi_reduction <maximumf>, %get3A_1, %reduce_max3A [1] : vector<8x32768xf32> to vector<8xf32>
    %broadcast_in_dim3A = vector.shape_cast %reduce_max3A_2 : vector<8xf32> to vector<8x1xf32>
    %sub3A = vector.broadcast %broadcast_in_dim3A : vector<8x1xf32> to vector<8x32768xf32>
    %sub3A_3 = arith.subf %get3A_1, %sub3A : vector<8x32768xf32>
    %mul3A = arith.constant 2.000000e+00 : f32
    %mul3A_4 = vector.broadcast %mul3A : f32 to vector<8x32768xf32>
    %mul3A_5 = arith.mulf %mul3A_4, %sub3A_3 : vector<8x32768xf32>
    %exp3A = math.exp %mul3A_5 : vector<8x32768xf32>
    %broadcast_in_dim3A_6 = arith.constant 0xFF800000 : f32
    %broadcast_in_dim3A_7 = vector.broadcast %broadcast_in_dim3A_6 : f32 to vector<8x32768xf32>
    %get3A_8 = arith.constant 0 : index
    %get3A_9 = arith.constant 0 : index
    %get3A_10 = vector.load %arg2[%get3A_8, %get3A_9] : memref<8x262144xf32, #tpu.memory_space<vmem>>, vector<8x32768xf32>
    %jit3A = arith.constant 1.1920929E-7 : f32
    %jit3A_11 = arith.constant 1.000000e+00 : f32
    %max3A = vector.broadcast %jit3A : f32 to vector<8x32768xf32>
    %max3A_12 = arith.maximumf %max3A, %get3A_10 : vector<8x32768xf32>
    %min3A = vector.broadcast %jit3A_11 : f32 to vector<8x32768xf32>
    %min3A_13 = arith.minimumf %min3A, %max3A_12 : vector<8x32768xf32>
    %log3A = math.log %min3A_13 : vector<8x32768xf32>
    %log3A_14 = arith.constant 2.000000e+00 : f32
    %log3A_15 = math.log %log3A_14 : f32
    %div3A = vector.broadcast %log3A_15 : f32 to vector<8x32768xf32>
    %div3A_16 = arith.divf %log3A, %div3A : vector<8x32768xf32>
    %div3A_17 = arith.constant 1.000000e+00 : f32
    %div3A_18 = vector.broadcast %div3A_17 : f32 to vector<8x32768xf32>
    %div3A_19 = arith.divf %div3A_18, %div3A_16 : vector<8x32768xf32>
    %mul3A_20 = arith.mulf %div3A_19, %div3A_19 : vector<8x32768xf32>
    %mul3A_21 = arith.mulf %exp3A, %mul3A_20 : vector<8x32768xf32>
    %reduce_sum3A = arith.constant dense<0.000000e+00> : vector<8xf32>
    %reduce_sum3A_22 = vector.multi_reduction <add>, %mul3A_21, %reduce_sum3A [1] : vector<8x32768xf32> to vector<8xf32>
    %broadcast_in_dim3A_23 = vector.shape_cast %reduce_sum3A_22 : vector<8xf32> to vector<8x1xf32>
    %div3A_24 = arith.constant 1.000000e+00 : f32
    %div3A_25 = vector.broadcast %div3A_24 : f32 to vector<8x1xf32>
    %div3A_26 = arith.divf %div3A_25, %broadcast_in_dim3A_23 : vector<8x1xf32>
    %mul3A_27 = vector.broadcast %div3A_26 : vector<8x1xf32> to vector<8x32768xf32>
    %mul3A_28 = arith.mulf %mul3A_21, %mul3A_27 : vector<8x32768xf32>
    %max3A_29 = arith.maximumf %broadcast_in_dim3A_7, %mul3A_28 : vector<8x32768xf32>
    %get3A_30 = arith.constant 0 : index
    %get3A_31 = arith.constant 32768 : index
    %get3A_32 = vector.load %arg2[%get3A_30, %get3A_31] : memref<8x262144xf32, #tpu.memory_space<vmem>>, vector<8x32768xf32>
    %jit3A_33 = arith.constant 1.1920929E-7 : f32
    %jit3A_34 = arith.constant 1.000000e+00 : f32
    %max3A_35 = vector.broadcast %jit3A_33 : f32 to vector<8x32768xf32>
    %max3A_36 = arith.maximumf %max3A_35, %get3A_32 : vector<8x32768xf32>
    %min3A_37 = vector.broadcast %jit3A_34 : f32 to vector<8x32768xf32>
    %min3A_38 = arith.minimumf %min3A_37, %max3A_36 : vector<8x32768xf32>
    %log3A_39 = math.log %min3A_38 : vector<8x32768xf32>
    %log3A_40 = arith.constant 2.000000e+00 : f32
    %log3A_41 = math.log %log3A_40 : f32
    %div3A_42 = vector.broadcast %log3A_41 : f32 to vector<8x32768xf32>
    %div3A_43 = arith.divf %log3A_39, %div3A_42 : vector<8x32768xf32>
    %div3A_44 = arith.constant 1.000000e+00 : f32
    %div3A_45 = vector.broadcast %div3A_44 : f32 to vector<8x32768xf32>
    %div3A_46 = arith.divf %div3A_45, %div3A_43 : vector<8x32768xf32>
    %mul3A_47 = arith.mulf %div3A_46, %div3A_46 : vector<8x32768xf32>
    %mul3A_48 = arith.mulf %exp3A, %mul3A_47 : vector<8x32768xf32>
    %reduce_sum3A_49 = arith.constant dense<0.000000e+00> : vector<8xf32>
    %reduce_sum3A_50 = vector.multi_reduction <add>, %mul3A_48, %reduce_sum3A_49 [1] : vector<8x32768xf32> to vector<8xf32>
    %broadcast_in_dim3A_51 = vector.shape_cast %reduce_sum3A_50 : vector<8xf32> to vector<8x1xf32>
    %div3A_52 = arith.constant 1.000000e+00 : f32
    %div3A_53 = vector.broadcast %div3A_52 : f32 to vector<8x1xf32>
    %div3A_54 = arith.divf %div3A_53, %broadcast_in_dim3A_51 : vector<8x1xf32>
    %mul3A_55 = vector.broadcast %div3A_54 : vector<8x1xf32> to vector<8x32768xf32>
    %mul3A_56 = arith.mulf %mul3A_48, %mul3A_55 : vector<8x32768xf32>
    %max3A_57 = arith.maximumf %max3A_29, %mul3A_56 : vector<8x32768xf32>
    %get3A_58 = arith.constant 0 : index
    %get3A_59 = arith.constant 65536 : index
    %get3A_60 = vector.load %arg2[%get3A_58, %get3A_59] : memref<8x262144xf32, #tpu.memory_space<vmem>>, vector<8x32768xf32>
    %jit3A_61 = arith.constant 1.1920929E-7 : f32
    %jit3A_62 = arith.constant 1.000000e+00 : f32
    %max3A_63 = vector.broadcast %jit3A_61 : f32 to vector<8x32768xf32>
    %max3A_64 = arith.maximumf %max3A_63, %get3A_60 : vector<8x32768xf32>
    %min3A_65 = vector.broadcast %jit3A_62 : f32 to vector<8x32768xf32>
    %min3A_66 = arith.minimumf %min3A_65, %max3A_64 : vector<8x32768xf32>
    %log3A_67 = math.log %min3A_66 : vector<8x32768xf32>
    %log3A_68 = arith.constant 2.000000e+00 : f32
    %log3A_69 = math.log %log3A_68 : f32
    %div3A_70 = vector.broadcast %log3A_69 : f32 to vector<8x32768xf32>
    %div3A_71 = arith.divf %log3A_67, %div3A_70 : vector<8x32768xf32>
    %div3A_72 = arith.constant 1.000000e+00 : f32
    %div3A_73 = vector.broadcast %div3A_72 : f32 to vector<8x32768xf32>
    %div3A_74 = arith.divf %div3A_73, %div3A_71 : vector<8x32768xf32>
    %mul3A_75 = arith.mulf %div3A_74, %div3A_74 : vector<8x32768xf32>
    %mul3A_76 = arith.mulf %exp3A, %mul3A_75 : vector<8x32768xf32>
    %reduce_sum3A_77 = arith.constant dense<0.000000e+00> : vector<8xf32>
    %reduce_sum3A_78 = vector.multi_reduction <add>, %mul3A_76, %reduce_sum3A_77 [1] : vector<8x32768xf32> to vector<8xf32>
    %broadcast_in_dim3A_79 = vector.shape_cast %reduce_sum3A_78 : vector<8xf32> to vector<8x1xf32>
    %div3A_80 = arith.constant 1.000000e+00 : f32
    %div3A_81 = vector.broadcast %div3A_80 : f32 to vector<8x1xf32>
    %div3A_82 = arith.divf %div3A_81, %broadcast_in_dim3A_79 : vector<8x1xf32>
    %mul3A_83 = vector.broadcast %div3A_82 : vector<8x1xf32> to vector<8x32768xf32>
    %mul3A_84 = arith.mulf %mul3A_76, %mul3A_83 : vector<8x32768xf32>
    %max3A_85 = arith.maximumf %max3A_57, %mul3A_84 : vector<8x32768xf32>
    %get3A_86 = arith.constant 0 : index
    %get3A_87 = arith.constant 98304 : index
    %get3A_88 = vector.load %arg2[%get3A_86, %get3A_87] : memref<8x262144xf32, #tpu.memory_space<vmem>>, vector<8x32768xf32>
    %jit3A_89 = arith.constant 1.1920929E-7 : f32
    %jit3A_90 = arith.constant 1.000000e+00 : f32
    %max3A_91 = vector.broadcast %jit3A_89 : f32 to vector<8x32768xf32>
    %max3A_92 = arith.maximumf %max3A_91, %get3A_88 : vector<8x32768xf32>
    %min3A_93 = vector.broadcast %jit3A_90 : f32 to vector<8x32768xf32>
    %min3A_94 = arith.minimumf %min3A_93, %max3A_92 : vector<8x32768xf32>
    %log3A_95 = math.log %min3A_94 : vector<8x32768xf32>
    %log3A_96 = arith.constant 2.000000e+00 : f32
    %log3A_97 = math.log %log3A_96 : f32
    %div3A_98 = vector.broadcast %log3A_97 : f32 to vector<8x32768xf32>
    %div3A_99 = arith.divf %log3A_95, %div3A_98 : vector<8x32768xf32>
    %div3A_100 = arith.constant 1.000000e+00 : f32
    %div3A_101 = vector.broadcast %div3A_100 : f32 to vector<8x32768xf32>
    %div3A_102 = arith.divf %div3A_101, %div3A_99 : vector<8x32768xf32>
    %mul3A_103 = arith.mulf %div3A_102, %div3A_102 : vector<8x32768xf32>
    %mul3A_104 = arith.mulf %exp3A, %mul3A_103 : vector<8x32768xf32>
    %reduce_sum3A_105 = arith.constant dense<0.000000e+00> : vector<8xf32>
    %reduce_sum3A_106 = vector.multi_reduction <add>, %mul3A_104, %reduce_sum3A_105 [1] : vector<8x32768xf32> to vector<8xf32>
    %broadcast_in_dim3A_107 = vector.shape_cast %reduce_sum3A_106 : vector<8xf32> to vector<8x1xf32>
    %div3A_108 = arith.constant 1.000000e+00 : f32
    %div3A_109 = vector.broadcast %div3A_108 : f32 to vector<8x1xf32>
    %div3A_110 = arith.divf %div3A_109, %broadcast_in_dim3A_107 : vector<8x1xf32>
    %mul3A_111 = vector.broadcast %div3A_110 : vector<8x1xf32> to vector<8x32768xf32>
    %mul3A_112 = arith.mulf %mul3A_104, %mul3A_111 : vector<8x32768xf32>
    %max3A_113 = arith.maximumf %max3A_85, %mul3A_112 : vector<8x32768xf32>
    %get3A_114 = arith.constant 0 : index
    %get3A_115 = arith.constant 131072 : index
    %get3A_116 = vector.load %arg2[%get3A_114, %get3A_115] : memref<8x262144xf32, #tpu.memory_space<vmem>>, vector<8x32768xf32>
    %jit3A_117 = arith.constant 1.1920929E-7 : f32
    %jit3A_118 = arith.constant 1.000000e+00 : f32
    %max3A_119 = vector.broadcast %jit3A_117 : f32 to vector<8x32768xf32>
    %max3A_120 = arith.maximumf %max3A_119, %get3A_116 : vector<8x32768xf32>
    %min3A_121 = vector.broadcast %jit3A_118 : f32 to vector<8x32768xf32>
    %min3A_122 = arith.minimumf %min3A_121, %max3A_120 : vector<8x32768xf32>
    %log3A_123 = math.log %min3A_122 : vector<8x32768xf32>
    %log3A_124 = arith.constant 2.000000e+00 : f32
    %log3A_125 = math.log %log3A_124 : f32
    %div3A_126 = vector.broadcast %log3A_125 : f32 to vector<8x32768xf32>
    %div3A_127 = arith.divf %log3A_123, %div3A_126 : vector<8x32768xf32>
    %div3A_128 = arith.constant 1.000000e+00 : f32
    %div3A_129 = vector.broadcast %div3A_128 : f32 to vector<8x32768xf32>
    %div3A_130 = arith.divf %div3A_129, %div3A_127 : vector<8x32768xf32>
    %mul3A_131 = arith.mulf %div3A_130, %div3A_130 : vector<8x32768xf32>
    %mul3A_132 = arith.mulf %exp3A, %mul3A_131 : vector<8x32768xf32>
    %reduce_sum3A_133 = arith.constant dense<0.000000e+00> : vector<8xf32>
    %reduce_sum3A_134 = vector.multi_reduction <add>, %mul3A_132, %reduce_sum3A_133 [1] : vector<8x32768xf32> to vector<8xf32>
    %broadcast_in_dim3A_135 = vector.shape_cast %reduce_sum3A_134 : vector<8xf32> to vector<8x1xf32>
    %div3A_136 = arith.constant 1.000000e+00 : f32
    %div3A_137 = vector.broadcast %div3A_136 : f32 to vector<8x1xf32>
    %div3A_138 = arith.divf %div3A_137, %broadcast_in_dim3A_135 : vector<8x1xf32>
    %mul3A_139 = vector.broadcast %div3A_138 : vector<8x1xf32> to vector<8x32768xf32>
    %mul3A_140 = arith.mulf %mul3A_132, %mul3A_139 : vector<8x32768xf32>
    %max3A_141 = arith.maximumf %max3A_113, %mul3A_140 : vector<8x32768xf32>
    %get3A_142 = arith.constant 0 : index
    %get3A_143 = arith.constant 163840 : index
    %get3A_144 = vector.load %arg2[%get3A_142, %get3A_143] : memref<8x262144xf32, #tpu.memory_space<vmem>>, vector<8x32768xf32>
    %jit3A_145 = arith.constant 1.1920929E-7 : f32
    %jit3A_146 = arith.constant 1.000000e+00 : f32
    %max3A_147 = vector.broadcast %jit3A_145 : f32 to vector<8x32768xf32>
    %max3A_148 = arith.maximumf %max3A_147, %get3A_144 : vector<8x32768xf32>
    %min3A_149 = vector.broadcast %jit3A_146 : f32 to vector<8x32768xf32>
    %min3A_150 = arith.minimumf %min3A_149, %max3A_148 : vector<8x32768xf32>
    %log3A_151 = math.log %min3A_150 : vector<8x32768xf32>
    %log3A_152 = arith.constant 2.000000e+00 : f32
    %log3A_153 = math.log %log3A_152 : f32
    %div3A_154 = vector.broadcast %log3A_153 : f32 to vector<8x32768xf32>
    %div3A_155 = arith.divf %log3A_151, %div3A_154 : vector<8x32768xf32>
    %div3A_156 = arith.constant 1.000000e+00 : f32
    %div3A_157 = vector.broadcast %div3A_156 : f32 to vector<8x32768xf32>
    %div3A_158 = arith.divf %div3A_157, %div3A_155 : vector<8x32768xf32>
    %mul3A_159 = arith.mulf %div3A_158, %div3A_158 : vector<8x32768xf32>
    %mul3A_160 = arith.mulf %exp3A, %mul3A_159 : vector<8x32768xf32>
    %reduce_sum3A_161 = arith.constant dense<0.000000e+00> : vector<8xf32>
    %reduce_sum3A_162 = vector.multi_reduction <add>, %mul3A_160, %reduce_sum3A_161 [1] : vector<8x32768xf32> to vector<8xf32>
    %broadcast_in_dim3A_163 = vector.shape_cast %reduce_sum3A_162 : vector<8xf32> to vector<8x1xf32>
    %div3A_164 = arith.constant 1.000000e+00 : f32
    %div3A_165 = vector.broadcast %div3A_164 : f32 to vector<8x1xf32>
    %div3A_166 = arith.divf %div3A_165, %broadcast_in_dim3A_163 : vector<8x1xf32>
    %mul3A_167 = vector.broadcast %div3A_166 : vector<8x1xf32> to vector<8x32768xf32>
    %mul3A_168 = arith.mulf %mul3A_160, %mul3A_167 : vector<8x32768xf32>
    %max3A_169 = arith.maximumf %max3A_141, %mul3A_168 : vector<8x32768xf32>
    %get3A_170 = arith.constant 0 : index
    %get3A_171 = arith.constant 196608 : index
    %get3A_172 = vector.load %arg2[%get3A_170, %get3A_171] : memref<8x262144xf32, #tpu.memory_space<vmem>>, vector<8x32768xf32>
    %jit3A_173 = arith.constant 1.1920929E-7 : f32
    %jit3A_174 = arith.constant 1.000000e+00 : f32
    %max3A_175 = vector.broadcast %jit3A_173 : f32 to vector<8x32768xf32>
    %max3A_176 = arith.maximumf %max3A_175, %get3A_172 : vector<8x32768xf32>
    %min3A_177 = vector.broadcast %jit3A_174 : f32 to vector<8x32768xf32>
    %min3A_178 = arith.minimumf %min3A_177, %max3A_176 : vector<8x32768xf32>
    %log3A_179 = math.log %min3A_178 : vector<8x32768xf32>
    %log3A_180 = arith.constant 2.000000e+00 : f32
    %log3A_181 = math.log %log3A_180 : f32
    %div3A_182 = vector.broadcast %log3A_181 : f32 to vector<8x32768xf32>
    %div3A_183 = arith.divf %log3A_179, %div3A_182 : vector<8x32768xf32>
    %div3A_184 = arith.constant 1.000000e+00 : f32
    %div3A_185 = vector.broadcast %div3A_184 : f32 to vector<8x32768xf32>
    %div3A_186 = arith.divf %div3A_185, %div3A_183 : vector<8x32768xf32>
    %mul3A_187 = arith.mulf %div3A_186, %div3A_186 : vector<8x32768xf32>
    %mul3A_188 = arith.mulf %exp3A, %mul3A_187 : vector<8x32768xf32>
    %reduce_sum3A_189 = arith.constant dense<0.000000e+00> : vector<8xf32>
    %reduce_sum3A_190 = vector.multi_reduction <add>, %mul3A_188, %reduce_sum3A_189 [1] : vector<8x32768xf32> to vector<8xf32>
    %broadcast_in_dim3A_191 = vector.shape_cast %reduce_sum3A_190 : vector<8xf32> to vector<8x1xf32>
    %div3A_192 = arith.constant 1.000000e+00 : f32
    %div3A_193 = vector.broadcast %div3A_192 : f32 to vector<8x1xf32>
    %div3A_194 = arith.divf %div3A_193, %broadcast_in_dim3A_191 : vector<8x1xf32>
    %mul3A_195 = vector.broadcast %div3A_194 : vector<8x1xf32> to vector<8x32768xf32>
    %mul3A_196 = arith.mulf %mul3A_188, %mul3A_195 : vector<8x32768xf32>
    %max3A_197 = arith.maximumf %max3A_169, %mul3A_196 : vector<8x32768xf32>
    %get3A_198 = arith.constant 0 : index
    %get3A_199 = arith.constant 229376 : index
    %get3A_200 = vector.load %arg2[%get3A_198, %get3A_199] : memref<8x262144xf32, #tpu.memory_space<vmem>>, vector<8x32768xf32>
    %jit3A_201 = arith.constant 1.1920929E-7 : f32
    %jit3A_202 = arith.constant 1.000000e+00 : f32
    %max3A_203 = vector.broadcast %jit3A_201 : f32 to vector<8x32768xf32>
    %max3A_204 = arith.maximumf %max3A_203, %get3A_200 : vector<8x32768xf32>
    %min3A_205 = vector.broadcast %jit3A_202 : f32 to vector<8x32768xf32>
    %min3A_206 = arith.minimumf %min3A_205, %max3A_204 : vector<8x32768xf32>
    %log3A_207 = math.log %min3A_206 : vector<8x32768xf32>
    %log3A_208 = arith.constant 2.000000e+00 : f32
    %log3A_209 = math.log %log3A_208 : f32
    %div3A_210 = vector.broadcast %log3A_209 : f32 to vector<8x32768xf32>
    %div3A_211 = arith.divf %log3A_207, %div3A_210 : vector<8x32768xf32>
    %div3A_212 = arith.constant 1.000000e+00 : f32
    %div3A_213 = vector.broadcast %div3A_212 : f32 to vector<8x32768xf32>
    %div3A_214 = arith.divf %div3A_213, %div3A_211 : vector<8x32768xf32>
    %mul3A_215 = arith.mulf %div3A_214, %div3A_214 : vector<8x32768xf32>
    %mul3A_216 = arith.mulf %exp3A, %mul3A_215 : vector<8x32768xf32>
    %reduce_sum3A_217 = arith.constant dense<0.000000e+00> : vector<8xf32>
    %reduce_sum3A_218 = vector.multi_reduction <add>, %mul3A_216, %reduce_sum3A_217 [1] : vector<8x32768xf32> to vector<8xf32>
    %broadcast_in_dim3A_219 = vector.shape_cast %reduce_sum3A_218 : vector<8xf32> to vector<8x1xf32>
    %div3A_220 = arith.constant 1.000000e+00 : f32
    %div3A_221 = vector.broadcast %div3A_220 : f32 to vector<8x1xf32>
    %div3A_222 = arith.divf %div3A_221, %broadcast_in_dim3A_219 : vector<8x1xf32>
    %mul3A_223 = vector.broadcast %div3A_222 : vector<8x1xf32> to vector<8x32768xf32>
    %mul3A_224 = arith.mulf %mul3A_216, %mul3A_223 : vector<8x32768xf32>
    %max3A_225 = arith.maximumf %max3A_197, %mul3A_224 : vector<8x32768xf32>
    %swap3A = arith.constant 0 : index
    %swap3A_226 = arith.constant 0 : index
    %swap3A_227 = vector.load %arg3[%swap3A, %swap3A_226] : memref<8x32768xf32, #tpu.memory_space<vmem>>, vector<8x32768xf32>
    tpu.vector_store %arg3[%swap3A, %swap3A_226], %max3A_225 {strides = array<i32>} : memref<8x32768xf32, #tpu.memory_space<vmem>>, vector<8x32768xf32>,
    return
  }
  func.func @transform_0(%arg0: i32) -> (i32, i32) {
    %c0_i32 = arith.constant 0 : i32
    %c0_i32_0 = arith.constant 0 : i32
    return %arg0, %c0_i32 : i32, i32
  }
  func.func @transform_1(%arg0: i32) -> (i32, i32) {
    %c0_i32 = arith.constant 0 : i32
    %c0_i32_0 = arith.constant 0 : i32
    return %arg0, %c0_i32 : i32, i32
  }
  func.func @transform_2(%arg0: i32) -> (i32, i32) {
    %c0_i32 = arith.constant 0 : i32
    %c0_i32_0 = arith.constant 0 : i32
    return %arg0, %c0_i32 : i32, i32
  }
}

</mosaic_0001>

<sc_bundles>
// kernel: sparse-core-data-format-call.cloned.1.call-start
scs
called_computation_lowered:
.L_overlay_start_0:
0x0: {  	s2 =	sld [smem:$0x3FD9]  }
0x1: {  	s3 =	sld [smem:$0x3FFE];
	_ =	sdelay $0x1  }
0x2: {  	s1 =	srdreg.scid  }
0x3: {  	s0 =	sand.u32 $0x1, s1  }
0x4: {  	s18 =	sshll.u32 s0, $0xA;
	s2 =	sadd.s32 s3, s2  }
0x5: {  	s2 =	sadd.s32 s2, s18  }
0x6: {  	[smem:$0x3FC6] =	sst s2  }
0x7: {  	_ = 	snop  }
0x8: {  	s2 =	sld [smem:$0x3FC8];
	(tm) =	ssettm $0x1  }
0x9: {  	s19 =	sld [smem:$0x3FFB];
	_ =	sdelay $0x3  }
0xa: {  	_ =	strace s19  }
0xb: {  	s3 =	sld [smem:$0x3FFC];
	_ =	sdelay $0x3  }
0xc: {  	_ =	strace s3  }
0xd: {  	s3 =	sld [smem:$0x3FFD];
	_ =	sdelay $0x3  }
0xe: {  	_ =	strace s3  }
0xf: {  	_ =	strace $0x8FFFFFFF  }
0x10: {  	s20 =	sld [smem:$0x3FDB];
	_ =	sdelay $0x1  }
0x11: {  	s4 =	simm.s32 $_scs_section_size  }
0x12: {  	s5 =	simm.s32 $_size__tile_overlayer_lowered;
	s6 =	simm.s32 $_tile_overlayer_lowered  }
0x13: {  	s23 =	simm.s32 $0x1BFF;
	s22 =	sshll.u32 s6, $0x1;
	s3 =	sadd.s32 s4, s20  }
0x14: {  	s7 =	simm.s32 $0x0;
	s21 =	sshll.u32 s5, $0x1;
	s5 =	sadd.s32 s22, s3  }
0x15: {  	[timem:s7], [sflag:s23] =	dma.local [hbm:s5], s21  }
0x16: {  	_ =	swait.ge [sflag:s23], s21  }
0x17: {  	s4 =	ssub.s32 $0x0, s21;
	[sflag:s23] =	ssyncset.done $0x0  }
0x18: {  	[sflag:s23] =	ssyncadd.s32 s4;
	_ =	sdelay $0x1  }
0x19: {  	s24 =	simm.s32 $0x1B8B  }
0x1a: {  	_ =	swait.ge [sflag:s24], $0x1  }
0x1b: {  	[sflag:s24] =	ssyncset.done $0x0  }
0x1c: {  	s26 =	simm.s32 $0x1B8E;
	s25 =	sld [smem:$0x3FFE];
	[sflag:s24] =	ssyncadd.s32 $0xFFFFFFFF  }
0x1d: {  	s27 =	simm.s32 $execute0_lowered;
	[smem:$0x3FD2] =	sst s26  }
0x1e: {  	s5 =	sshll.u32 s27, $0x1;
	_ =	strace $0x80000046;
	[dreg:$0x1] =	wrdreg $0xFFFFFFFF  }
0x1f: {  	s28 =	simm.s32 $_size_execute0_lowered;
	s3 =	sadd.s32 s3, s5;
	[dreg:$0x0] =	wrdreg $0x0  }
0x20: {  	s5 =	sshll.u32 s28, $0x1;
	[dreg:$0x2] =	wrdreg s3  }
0x21: {  	[dreg:$0x3] =	wrdreg s5  }
0x22: {  	[dreg:$0x4] =	wrdreg $0xC0  }
0x23: {  	_ =	task [dreg:s7], $0x5FFFF  }
0x24: {  	[dreg:$0x1] =	wrdreg $0xFFFFFFFF  }
0x25: {  	[dreg:$0x0] =	wrdreg $0x60  }
0x26: {  	[dreg:$0x2] =	wrdreg s2  }
0x27: {  	[dreg:$0x3] =	wrdreg s25  }
0x28: {  	[dreg:$0x4] =	wrdreg $0x9  }
0x29: {  	_ =	task.clear_ibuf [dreg:s7], $0x5FFFF;
	_ =	strace $0x90000046  }
0x2a: {  	s29 =	simm.s32 $0x9;
	_ =	strace $0x80000048  }
0x2b: {  	_ =	swait.ge [sflag:s29], $0x1  }
0x2c: {  	[sflag:s29] =	ssyncadd.s32 $0xFFFFFFFF  }
0x2d: {  	_ =	strace $0x90000048  }
0x2e: {  	_ =	sfence  }
0x2f: {  	s30 =	sld [smem:$0x0];
	_ =	sdelay $0x2  }
0x30: {  	s31 =	sshll.u32 s1, $0xD;
	s1 =	sshrl.u32 s1, $0x2  }
0x31: {  	s3 =	sand.u32 $0x4000, s31;
	s1 =	sadd.s32 s1, s30  }
0x32: {  	s0 =	sor.u32 s3, s0;
	s1 =	sshll.u32 s1, $0x11  }
0x33: {  	s0 =	sor.u32 s1, s0  }
0x34: {  	s0 =	sadd.s32 $0x8F2B, s0  }
0x35: {  	[sflag:s0] =	ssyncadd.remote.s32 $0x1  }
0x36: {  	_ =	sfence.sel $0xFFFF  }
0x37: {  	[dreg:$0x0] =	wrdreg $0xFFFFFFFF;
	(pc) =	sbr.abs _section_cstart, $3  }
0x38: {  	[dreg:$0x1] =	wrdreg $0xFFFFFFFF  }
0x39: {  	_ =	task.clear_ibuf [dreg:s7], $0x2FFFF;
	_ =	strace $0x9FFFFFFF  }
0x3a: {  	(tm) =	ssettm $0x7FFFFFFF  }
0x3b: {  	_ =	shalt  }
tec
execute0_lowered:
.L_overlay_start_1:
0x0: {  	(tag) =	ssettag $0x1  }
0x1: {  	s1 =	rddreg [dreg:$0x0]  }
0x2: {  	s0 =	srdreg.scid;
	s2 =	rddreg [dreg:$0x1];
	_ =	strace $0x80000047  }
0x3: {  	s5 =	simm.s32 $0x1;
	s7 =	simm.s32 $0x2;
	s15 =	simm.s32 $0x0  }
0x4: {  	s8 =	simm.s32 $0x40000;
	s9 =	simm.s32 $0x0;
	s16 =	simm.s32 $0x0  }
0x5: {  	s18 =	simm.s32 $0x0;
	s17 =	simm.s32 $0x0;
	s0 =	sshll.u32 s0, $0x8  }
0x6: {  	s10 =	simm.s32 $0x0;
	s12 =	simm.s32 $0x0;
	s3 =	sand.u32 $0x100, s0  }
.Ltmp0:
0x7: {  	s13 =	stileid.u32;
	s0 =	ssub.s32 $0x8000, s3;
	(pc) =	sbr.rel .LBB1_1-.Ltmp0, $4  }
0x8: {  	s14 =	simm.s32 $0x0;
	s24 =	simm.s32 $0x0;
	s6 =	sshrl.u32 s0, $0x8  }
0x9: {  	s4 =	sadd.s32 $0x600, s2;
	s0 =	sshrl.u32 s0, $0x9;
	s6 =	sand.u32 $0x1, s6  }
0xa: {  	s2 =	stileid.u32;
	[sflag:s5] =	ssyncpa.u1 $0x0;
	s6 =	sadd.s32 s0, s6  }
0xb: {  	[sflag:s7] =	ssyncpa.u1 $0x0;
	s11 =	smov.u32 s3;
	s7 =	sadd.s32 $0x1, s6  }
.LBB1_7:
0xc: {  	s0 =	sadd.s32 $0x200, s11  }
0xd: {  	s15 =	sadd.s32 $0x8, s10;
	s19 =	smov.u32 s10;
	p1 =	sgt.s32 s0, $0x7FFF  }
0xe: {  	s19 =	smov.u32 @p1 s15  }
0xf: {  	s20 =	smov.u32 s12;
	s15 =	sadd.s32 $0x8, s12;
	p2 =	sgt.s32 s19, $0x7  }
0x10: {  	s20 =	smov.u32 @p2 s15  }
0x11: {  	s21 =	smov.u32 s13;
	s15 =	sadd.s32 $0x10, s13;
	p3 =	sgt.s32 s20, $0x7  }
0x12: {  	p0 =	slt.u32 s14, $0x2;
	s21 =	smov.u32 @p3 s15  }
0x13: {  	s16 =	smov.u32 s10;
	s0 =	smov.u32 @p1 s3;
	p1 =	sgt.s32 s21, $0xF  }
0x14: {  	s22 =	simm.s32 @!p0 $0x2;
	s21 =	smov.u32 @p1 s2;
	p1 =	sne.s32 s14, s7  }
.Ltmp1:
0x15: {  	s18 =	smov.u32 s12;
	_ =	swait.ge @!p0 [sflag:s22], $0x4000;
	(pc) =	sbr.rel @!p1 .LBB1_8-.Ltmp1, $4  }
0x16: {  	s17 =	smov.u32 s13;
	[sflag:s22] =	ssyncset.done @!p0 $0x0;
	s19 =	simm.s32 @p2 $0x0  }
0x17: {  	s9 =	sadd.s32 $0x4000, s9;
	[sflag:s22] =	ssyncadd.s32 @!p0 $0xFFFFC000;
	s10 =	smov.u32 s19  }
0x18: {  	s20 =	simm.s32 @p3 $0x0;
	s15 =	smov.u32 s11;
	s11 =	smov.u32 s0  }
0x19: {  	s12 =	smov.u32 s20;
	s14 =	sadd.s32 $0x1, s14;
	s13 =	smov.u32 s21  }
.LBB1_1:
0x1a: {  	p0 =	sge.u32 s14, s6  }
0x1b: {  	s31 =	sadd.s32 $0xFFFFFFFF, s14;
	s0 =	sxor.u32 @!p0 $0xFFFFFFFF, s14  }
0x1c: {  	s19 =	sshll.u32 @!p0 s10, $0x7;
	s20 =	sand.u32 @!p0 $0x78, s11;
	s21 =	sshll.u32 @!p0 s11, $0x3  }
0x1d: {  	s22 =	sand.u32 @!p0 $0x7000, s11;
	s0 =	sshll.u32 @!p0 s0, $0xE;
	s19 =	sand.u32 @!p0 $0x380, s19  }
0x1e: {  	s21 =	sand.u32 @!p0 $0x7C00, s21;
	s19 =	sor.u32 @!p0 s19, s20;
	s20 =	sshll.u32 @!p0 s13, $0x12  }
0x1f: {  	s19 =	sor.u32 @!p0 s21, s19;
	s21 =	sshll.u32 @!p0 s12, $0xF;
	s20 =	sadd.s32 @!p0 s1, s20  }
0x20: {  	s0 =	sand.u32 @!p0 $0x4000, s0;
	s20 =	sadd.s32 @!p0 s21, s20;
	s21 =	sand.u32 @!p0 $0x7, s11  }
0x21: {  	s19 =	sshrl.u32 @!p0 s19, $0x3;
	s20 =	sadd.s32 @!p0 s22, s20;
	s21 =	sshll.u32 @!p0 s21, $0x12  }
0x22: {  	s19 =	sadd.s32 @!p0 s19, s20;
	s20 =	sor.u32 @!p0 $0x800, s21;
	s21 =	simm.s32 @!p0 $0x40000  }
0x23: {  	[tilespmem:s0], [sflag:$0x1] =	stream.strided.gather @!p0 [hbm4b:s19+s20], $0x4000, s21, s20, $0x38;
	[tilespmem:$0x10000] =	vst v63  }
0x24: {  	p0 =	sge.u32 s31, s6  }
.Ltmp2:
0x25: {  	_ = 	snop;
	(pc) =	sbr.rel @p0 .LBB1_7-.Ltmp2, $1  }
0x26: {  	_ =	sdelay $0x3  }
0x27: {  	s0 =	sshll.u32 s9, $0x2;
	_ =	swait.ge [sflag:s5], $0x4000;
	s19 =	sshll.u32 s14, $0xE  }
0x28: {  	p0 =	por $0x0, $0x0;
	s25 =	simm.s32 $0x0;
	s26 =	simm.s32 $0x0  }
0x29: {  	s0 =	sand.u32 $0x10000, s0;
	[sflag:s5] =	ssyncset.done $0x0;
	s22 =	sand.u32 $0x4000, s19  }
0x2a: {  	s0 =	sshrl.u32 s0, $0x2;
	[sflag:s5] =	ssyncadd.s32 $0xFFFFC000;
	s19 =	sor.u32 $0x8000, s22  }
0x2b: {  	s20 =	sor.u32 $0x40, s0;
	s21 =	sor.u32 $0x8410, s0;
	s23 =	sadd.s32 $0x8400, s0  }
.LBB1_3:
0x2c: {  	v1 =	vld [tilespmem:s20+$0xFFFFFFD0]  }
0x2d: {  	v2 =	vld [tilespmem:s20+$0x430]  }
0x2e: {  	s0 =	sshll.u32 s26, $0xB;
	v4 =	vld [tilespmem:s20+$0xFFFFFFE0]  }
0x2f: {  	v7 =	vld [tilespmem:s20+$0xFFFFFFF0];
	v0 =	vmov s0  }
0x30: {  	v8 =	vld [tilespmem:s20+$0x0]  }
0x31: {  	v9 =	vld [tilespmem:s20+$0x10];
	s0 =	sand.u32 $0x300, s24  }
0x32: {  	s27 =	sand.u32 $0x80, s24;
	v10 =	vld [tilespmem:s20+$0x20];
	s0 =	sadd.s32 s0, s22  }
0x33: {  	v11 =	vld [tilespmem:s20+$0x30];
	s0 =	sadd.s32 s27, s0;
	s27 =	simm.s32 $0x1;
	[tilespmem:s21+$0x60] =	vst v2  }
0x34: {  	s27 =	simm.s32 @!p0 $0x0;
	[tilespmem:s21+$0xFFFFFC00] =	vst v1;
	v3 =	vld.idx.msk [tilespmem:v0+s0+$0x400 ss:$0x1], $0xffff;
	s0 =	sshll.u32 s25, $0x2  }
0x35: {  	v6 =	vld [tilespmem:s20+$0x3D0];
	s27 =	sshll.u32 s27, $0x9;
	[tilespmem:s21+$0xFFFFFC10] =	vst v4;
	s0 =	sand.u32 $0xFFFFFC00, s0  }
0x36: {  	v5 =	vld [tilespmem:s20+$0x3E0];
	[tilespmem:s21+$0xFFFFFC20] =	vst v7;
	s0 =	sor.u32 s27, s0  }
0x37: {  	[tilespmem:s21+$0xFFFFFC30] =	vst v8;
	v4 =	vld [tilespmem:s20+$0x400];
	s0 =	sshrl.u32 s0, $0x2  }
0x38: {  	[tilespmem:s21+$0xFFFFFC40] =	vst v9;
	v1 =	vld [tilespmem:s20+$0x410];
	s27 =	sadd.s32 s0, s23  }
0x39: {  	[tilespmem:s27+$0x0] =	vst v3;
	v3 =	vld [tilespmem:s20+$0x3F0]  }
0x3a: {  	s31 =	simm.s32 $0x80;
	s30 =	simm.s32 $0x100;
	[tilespmem:s21+$0xFFFFFC50] =	vst v10;
	v2 =	vld [tilespmem:s20+$0x420]  }
0x3b: {  	s28 =	sadd.s32 $0x80, s20;
	s29 =	smov.u32 s21;
	v7 =	vld [tilespmem:s20+$0xFFFFFFC0];
	[tilespmem:s21+$0xFFFFFC60] =	vst v11;
	s0 =	sand.u32 $0x300, s31  }
.LBB1_4:
0x3c: {  	p1 =	sne.s32 s30, $0x380;
	v8 =	vld [tilespmem:s28+$0xFFFFFFD0];
	s31 =	sand.u32 $0x80, s31;
	s0 =	sadd.s32 s0, s22;
	[tilespmem:s29+$0x0] =	vst v6  }
0x3d: {  	s0 =	sadd.s32 s31, s0;
	v6 =	vld [tilespmem:s28+$0x430];
	[tilespmem:s29+$0x10] =	vst v5;
	s31 =	smov.u32 s30  }
0x3e: {  	v5 =	vld.idx.msk [tilespmem:v0+s0+$0x400 ss:$0x1], $0xffff;
	[tilespmem:s29+$0x20] =	vst v3  }
0x3f: {  	v3 =	vld [tilespmem:s28+$0xFFFFFFE0];
	[tilespmem:s29+$0x30] =	vst v4  }
0x40: {  	v4 =	vld [tilespmem:s28+$0xFFFFFFF0];
	[tilespmem:s29+$0xFFFFFBF0] =	vst v7  }
0x41: {  	v7 =	vld [tilespmem:s28+$0x0];
	[tilespmem:s29+$0x40] =	vst v1  }
0x42: {  	v1 =	vld [tilespmem:s28+$0x10];
	[tilespmem:s29+$0x50] =	vst v2;
	s29 =	sadd.s32 $0x800, s29  }
0x43: {  	s27 =	sadd.s32 $0x800, s27;
	v2 =	vld [tilespmem:s28+$0x20];
	[tilespmem:s29+$0x60] =	vst v6  }
0x44: {  	v9 =	vld [tilespmem:s28+$0x30];
	[tilespmem:s27+$0x0] =	vst v5  }
0x45: {  	[tilespmem:s29+$0xFFFFFC00] =	vst v8;
	v6 =	vld [tilespmem:s28+$0x3D0]  }
0x46: {  	[tilespmem:s29+$0xFFFFFC10] =	vst v3;
	v5 =	vld [tilespmem:s28+$0x3E0]  }
.Ltmp3:
0x47: {  	[tilespmem:s29+$0xFFFFFC20] =	vst v4;
	v3 =	vld [tilespmem:s28+$0x3F0];
	(pc) =	sbr.rel @p1 .LBB1_4-.Ltmp3, $4  }
0x48: {  	[tilespmem:s29+$0xFFFFFC30] =	vst v7;
	v4 =	vld [tilespmem:s28+$0x400]  }
0x49: {  	[tilespmem:s29+$0xFFFFFC40] =	vst v1;
	v1 =	vld [tilespmem:s28+$0x410]  }
0x4a: {  	[tilespmem:s29+$0xFFFFFC50] =	vst v2;
	v2 =	vld [tilespmem:s28+$0x420]  }
0x4b: {  	s30 =	sadd.s32 $0x80, s30;
	s0 =	sand.u32 $0x300, s31;
	v7 =	vld [tilespmem:s28+$0xFFFFFFC0];
	[tilespmem:s29+$0xFFFFFC60] =	vst v9;
	s28 =	sadd.s32 $0x80, s28  }
0x4c: {  	[tilespmem:s29+$0x0] =	vst v6  }
0x4d: {  	[tilespmem:s29+$0x10] =	vst v5  }
0x4e: {  	v49 =	vld [tilespmem:s28+$0x430];
	[tilespmem:s29+$0x20] =	vst v3  }
0x4f: {  	v50 =	vld [tilespmem:s28+$0xFFFFFFD0];
	[tilespmem:s29+$0x30] =	vst v4  }
0x50: {  	v51 =	vld [tilespmem:s28+$0xFFFFFFE0];
	[tilespmem:s29+$0x40] =	vst v1  }
0x51: {  	v52 =	vld [tilespmem:s28+$0xFFFFFFF0];
	[tilespmem:s29+$0x50] =	vst v2  }
0x52: {  	s30 =	sand.u32 $0x80, s31;
	s31 =	sadd.s32 $0x800, s29;
	v53 =	vld [tilespmem:s28+$0x0];
	[tilespmem:s29+$0xFFFFFBF0] =	vst v7  }
0x53: {  	v54 =	vld [tilespmem:s28+$0x10];
	[tilespmem:s31+$0x60] =	vst v49  }
0x54: {  	v55 =	vld [tilespmem:s28+$0x20];
	[tilespmem:s31+$0xFFFFFC00] =	vst v50  }
0x55: {  	v56 =	vld [tilespmem:s28+$0x30];
	[tilespmem:s31+$0xFFFFFC10] =	vst v51  }
0x56: {  	v57 =	vld [tilespmem:s28+$0x3D0];
	[tilespmem:s31+$0xFFFFFC20] =	vst v52  }
0x57: {  	v58 =	vld [tilespmem:s28+$0x3E0];
	[tilespmem:s31+$0xFFFFFC30] =	vst v53  }
0x58: {  	v59 =	vld [tilespmem:s28+$0x3F0];
	[tilespmem:s31+$0xFFFFFC40] =	vst v54  }
0x59: {  	v60 =	vld [tilespmem:s28+$0x400];
	[tilespmem:s31+$0xFFFFFC50] =	vst v55  }
0x5a: {  	v61 =	vld [tilespmem:s28+$0xFFFFFFC0];
	[tilespmem:s31+$0xFFFFFC60] =	vst v56  }
0x5b: {  	s0 =	sadd.s32 s0, s22;
	v62 =	vld [tilespmem:s28+$0x410];
	[tilespmem:s31+$0x0] =	vst v57  }
0x5c: {  	v63 =	vld [tilespmem:s28+$0x420];
	s26 =	sadd.s32 $0x1, s26;
	s0 =	sadd.s32 s30, s0;
	[tilespmem:s31+$0x10] =	vst v58  }
0x5d: {  	p1 =	sne.s32 s26, $0x8;
	v0 =	vld.idx.msk [tilespmem:v0+s0+$0x400 ss:$0x1], $0xffff;
	[tilespmem:s31+$0x20] =	vst v59  }
.Ltmp4:
0x5e: {  	[tilespmem:s31+$0x30] =	vst v60;
	(pc) =	sbr.rel @p1 .LBB1_3-.Ltmp4, $4  }
0x5f: {  	[tilespmem:s31+$0xFFFFFBF0] =	vst v61  }
0x60: {  	[tilespmem:s31+$0x40] =	vst v62  }
0x61: {  	s27 =	sadd.s32 $0x800, s27;
	s20 =	sadd.s32 $0x800, s20;
	[tilespmem:s31+$0x50] =	vst v63  }
0x62: {  	s25 =	sadd.s32 $0x80, s25;
	p0 =	por !p0, !p0;
	s21 =	sadd.s32 $0x80, s21;
	[tilespmem:s27+$0x0] =	vst v0  }
0x63: {  	s0 =	sshll.u32 s18, $0x7;
	s29 =	sand.u32 $0x78, s15  }
0x64: {  	s20 =	sshll.u32 s15, $0x3;
	s17 =	sshll.u32 s17, $0x12;
	s16 =	sshll.u32 s16, $0xF  }
0x65: {  	s30 =	sand.u32 $0x7000, s15;
	s0 =	sand.u32 $0x380, s0;
	s20 =	sand.u32 $0x7C00, s20  }
.Ltmp5:
0x66: {  	s17 =	sadd.s32 s4, s17;
	s0 =	sor.u32 s0, s29;
	(pc) =	sbr.rel .LBB1_7-.Ltmp5, $4  }
0x67: {  	s31 =	sand.u32 $0x7, s15;
	s16 =	sadd.s32 s16, s17;
	s0 =	sor.u32 s20, s0  }
0x68: {  	s15 =	sshll.u32 s31, $0x12;
	s16 =	sadd.s32 s30, s16;
	s0 =	sshrl.u32 s0, $0x3  }
0x69: {  	s15 =	sor.u32 $0x800, s15;
	s0 =	sadd.s32 s0, s16  }
0x6a: {  	[hbm4b:s0+s15] =	stream.strided.scatter [tilespmem:s19], [sflag:$0x2], $0x4000, s8, s15, $0x38;
	[tilespmem:$0x10000] =	vst v63  }
.LBB1_8:
0x6b: {  	_ =	sfence.sel $0x180000  }
0x6c: {  	s0 =	simm.s32 $0x1;
	[bflag:$0x0] =	sbarrier.arrive $0xFFFF  }
0x6d: {  	s31 =	simm.s32 $0x2;
	[sflag:s0] =	ssyncpa.u1 $0x1  }
0x6e: {  	[sflag:s31] =	ssyncpa.u1 $0x1  }
0x6f: {  	_ =	strace $0x90000047  }
0x70: {  	[bflag:$0x2] =	sbarrier.arrive $0xFFFF  }
0x71: {  	p0 =	sne.s32 s2, $0x0;
	s0 =	rddreg [dreg:$0x2]  }
0x72: {  	s0 =	sadd.s32 @!p0 $0x100000, s0  }
0x73: {  	[sflag:s0] =	ssyncadd.tile.s32 @!p0 $0x1;
	_ =	shalt  }
.Lfunc_end1:
_tile_overlayer_lowered:
.L_overlay_start_2:
0x74: {  	(tag) =	ssettag $0x2  }
0x75: {  	s0 =	rddreg [dreg:$0x0];
	s2 =	stileid.u32  }
0x76: {  	s1 =	rddreg [dreg:$0x1];
	p0 =	sne.s32 s2, $0x0  }
0x77: {  	s3 =	rddreg [dreg:$0x2];
	[bflag:$0x3] =	sbarrier.arrive $0xFFFF;
	s2 =	simm.s32 @!p0 $0x1C01  }
0x78: {  	[timem:s3], [sflag:s2] =	dma.local @!p0 [hbm:s0], s1  }
0x79: {  	s0 =	simm.s32 @!p0 $0x1  }
0x7a: {  	_ =	swait.ge @!p0 [sflag:s0], s1  }
0x7b: {  	s1 =	ssub.s32 @!p0 $0x0, s1;
	[sflag:s0] =	ssyncset.done @!p0 $0x0  }
0x7c: {  	[sflag:s0] =	ssyncadd.s32 @!p0 s1  }
0x7d: {  	[bflag:$0x3] =	sbarrier.arrive $0xFFFF  }
0x7e: {  	_ =	shalt  }

</sc_bundles>
